<compile_context>
chip_gen: v7x
topology: tpu7x:2x2x1
jax: 0.10.2.dev20260603
libtpu: 0.0.44.dev20260713+nightly
codegen_flags: <defaults>
</compile_context>

<pallas_src>
import functools

import jax
import jax.numpy as jnp
from jax import lax
from jax.experimental import pallas as pl
from jax.experimental.pallas import tpu as pltpu
from jax.experimental.pallas import tpu_sc as plsc

TOKEN = 32
HID = 768
NSC = 1
NSUB = 8
NW = NSC * NSUB
LANES = 16
SBLK = 64


def _tc_emb_kernel(bits_ref, table_ref, emb_ref):
    amp = bits_ref[...] * 2.0 - 1.0
    emb_ref[...] = amp[:, :, None] * table_ref[...][None, :, :]


def _sc_logit_kernel(bits_hbm, tableT_hbm, logit_hbm, tab_v, bits_v, logit_v):
    wid = lax.axis_index("s") * NSC + lax.axis_index("c")
    n_vals = bits_hbm.shape[0]
    vals_pw = n_vals // NW
    v0 = wid * vals_pw

    pltpu.sync_copy(tableT_hbm, tab_v)
    pltpu.sync_copy(bits_hbm.at[pl.ds(v0, vals_pw)], bits_v)

    RS_UNROLL = 8

    def rsum_body(g, accs):
        accs = list(accs)
        for u in range(RS_UNROLL):
            o = (g * RS_UNROLL + u) * TOKEN
            accs[2 * u] = accs[2 * u] + tab_v[pl.ds(o, LANES)]
            accs[2 * u + 1] = accs[2 * u + 1] + tab_v[pl.ds(o + LANES, LANES)]
        return tuple(accs)

    zeros = jnp.zeros((LANES,), jnp.float32)
    accs = lax.fori_loop(0, HID // RS_UNROLL, rsum_body, (zeros,) * (2 * RS_UNROLL))
    rs_lo = ((accs[0] + accs[2]) + (accs[4] + accs[6])) + \
        ((accs[8] + accs[10]) + (accs[12] + accs[14]))
    rs_hi = ((accs[1] + accs[3]) + (accs[5] + accs[7])) + \
        ((accs[9] + accs[11]) + (accs[13] + accs[15]))

    def logit_body(k, _):
        o = k * TOKEN
        b_lo = bits_v[pl.ds(o, LANES)]
        logit_v[pl.ds(o, LANES)] = (b_lo * 2.0 - 1.0) * rs_lo
        b_hi = bits_v[pl.ds(o + LANES, LANES)]
        logit_v[pl.ds(o + LANES, LANES)] = (b_hi * 2.0 - 1.0) * rs_hi
        return 0

    lax.fori_loop(0, vals_pw // TOKEN, logit_body, 0)
    pltpu.sync_copy(logit_v, logit_hbm.at[pl.ds(v0, vals_pw)])


def kernel(text_batch, table):
    B, flat = text_batch.shape
    S = flat // TOKEN
    N = B * S
    bits = text_batch.reshape(N, TOKEN)

    emb = pl.pallas_call(
        _tc_emb_kernel,
        grid=(N // SBLK,),
        in_specs=[
            pl.BlockSpec((SBLK, TOKEN), lambda i: (i, 0)),
            pl.BlockSpec((TOKEN, HID), lambda i: (0, 0)),
        ],
        out_specs=pl.BlockSpec((SBLK, TOKEN, HID), lambda i: (i, 0, 0)),
        out_shape=jax.ShapeDtypeStruct((N, TOKEN, HID), jnp.float32),
    )(bits, table)

    mesh = plsc.VectorSubcoreMesh(core_axis_name="c", subcore_axis_name="s",
                                  num_cores=NSC, num_subcores=NSUB)
    sc_call = functools.partial(
        pl.kernel,
        mesh=mesh,
        out_type=jax.ShapeDtypeStruct((N * TOKEN,), jnp.float32),
        scratch_types=[
            pltpu.VMEM((TOKEN * HID,), jnp.float32),
            pltpu.VMEM((N * TOKEN // NW,), jnp.float32),
            pltpu.VMEM((N * TOKEN // NW,), jnp.float32),
        ],
        cost_estimate=pl.CostEstimate(
            flops=2 * N * TOKEN, bytes_accessed=8 * N * TOKEN,
            transcendentals=0),
    )(_sc_logit_kernel)
    logit = sc_call(text_batch.reshape(N * TOKEN), table.T.reshape(TOKEN * HID))

    return emb.reshape(B, S, TOKEN, HID), logit.reshape(B, S, TOKEN, 1)

# --- scband reference (transcript-rebuilt; emitter-appended) ---
"""Pipeline reference for scband-binary-embedding-layer-19662360281630 (READ-ONLY COPY).

The authoritative reference and input builder live on the scoring server;
editing this copy changes nothing except your own understanding.
"""

import jax, jax.numpy as jnp
import numpy as np

TOKEN_LENGTH = 32
HIDDEN = 768
MAX_SEQ = 1024
BATCH = 2

def setup_inputs(seed: int = 0) -> dict:
    key = jax.random.key(seed)
    k1, k2 = jax.random.split(key)
    # binary bit stream per batch item, flat length = MAX_SEQ * TOKEN_LENGTH
    text_batch = jax.random.randint(k1, (BATCH, MAX_SEQ * TOKEN_LENGTH), 0, 2).astype(jnp.float32)
    # BinaryEmbedding table: vocab_size = token_length = 32, hidden_size = HIDDEN
    table = jax.random.normal(k2, (TOKEN_LENGTH, HIDDEN), dtype=jnp.float32)
    return {"text_batch": text_batch, "table": table}

def reference(text_batch, table):
    B, flat_len = text_batch.shape
    seq_len = flat_len // TOKEN_LENGTH
    # split each flat bit stream into [seq_len, TOKEN_LENGTH] chunks (torch.split + stack)
    bits = text_batch.reshape(B, seq_len, TOKEN_LENGTH)
    # amplitude = binary_input * 2 - 1
    amplitude = bits * 2.0 - 1.0  # [B, S, 32]
    # position_indices = arange(binary_len) repeated over seq_len
    position_indices = jnp.broadcast_to(jnp.arange(TOKEN_LENGTH), (seq_len, TOKEN_LENGTH))  # [S, 32]
    # base_embeddings = embedding gather
    base_embeddings = jnp.take(table, position_indices, axis=0)  # [S, 32, H]
    # embeddings = base_embeddings * amplitude.unsqueeze(-1)
    embeddings = base_embeddings[None, :, :, :] * amplitude[..., None]  # [B, S, 32, H]
    # logit_prime = sum over hidden dim, keepdim
    logit_prime = jnp.sum(embeddings, axis=-1, keepdims=True)  # [B, S, 32, 1]
    return embeddings, logit_prime

if __name__ == "__main__":
    import jax
    _d = setup_inputs()
    print(jax.jit(kernel)(*tuple(_d.values())))

</pallas_src>

<mosaic_0001>
#map = affine_map<(d0, d1) -> (0)>
module attributes {stable_mosaic.version = 14 : i64} {
  func.func @_sc_logit_kernel(%arg0: i32, %arg1: i32, %arg2: memref<65536xf32, #tpu.memory_space<hbm>>, %arg3: memref<24576xf32, #tpu.memory_space<hbm>>, %arg4: memref<65536xf32, #tpu.memory_space<hbm>>, %arg5: memref<24576xf32, #tpu.memory_space<vmem>>, %arg6: memref<8192xf32, #tpu.memory_space<vmem>>, %arg7: memref<8192xf32, #tpu.memory_space<vmem>>) attributes {dimension_semantics = [#tpu.dimension_semantics<core_parallel>, #tpu.dimension_semantics<subcore_parallel>], iteration_bounds = array<i64: 1, 8>, scalar_prefetch = 0 : i64, scratch_operands = 3 : i64, tpu.core_type = #tpu.core_type<sc_vector_subcore>, window_params = [{transform_indices = #map}, {transform_indices = #map}, {transform_indices = #map}]} {
    %mul3A = arith.constant 1 : i32
    %mul3A_0 = arith.muli %arg1, %mul3A : i32
    %add3A = arith.addi %mul3A_0, %arg0 : i32
    %mul3A_1 = arith.constant 8192 : i32
    %mul3A_2 = arith.muli %add3A, %mul3A_1 : i32
    "tpu.region"() ({
      %run_scoped3A = tpu.sem_alloc : memref<!tpu.dma_semaphore, #tpu.memory_space<semaphore_mem>>
      tpu.enqueue_dma source(%arg3 : memref<24576xf32, #tpu.memory_space<hbm>>) target(%arg5 : memref<24576xf32, #tpu.memory_space<vmem>>) target_semaphore(%run_scoped3A : memref<!tpu.dma_semaphore, #tpu.memory_space<semaphore_mem>>)
      tpu.wait_dma2 semaphore(%run_scoped3A : memref<!tpu.dma_semaphore, #tpu.memory_space<semaphore_mem>>) src(%arg3 : memref<24576xf32, #tpu.memory_space<hbm>>) dst(%arg5 : memref<24576xf32, #tpu.memory_space<vmem>>)
      tpu.yield
    }) : () -> ()
    "tpu.region"() ({
      %run_scoped3A = tpu.sem_alloc : memref<!tpu.dma_semaphore, #tpu.memory_space<semaphore_mem>>
      %dma_start3A = tpu.memref_slice %arg2[%mul3A_2] : memref<65536xf32, #tpu.memory_space<hbm>> -> memref<8192xf32, #tpu.memory_space<hbm>>
      %dma_start3A_30 = tpu.memref_slice %arg2[%mul3A_2] : memref<65536xf32, #tpu.memory_space<hbm>> -> memref<8192xf32, #tpu.memory_space<hbm>>
      tpu.enqueue_dma source(%dma_start3A_30 : memref<8192xf32, #tpu.memory_space<hbm>>) target(%arg6 : memref<8192xf32, #tpu.memory_space<vmem>>) target_semaphore(%run_scoped3A : memref<!tpu.dma_semaphore, #tpu.memory_space<semaphore_mem>>)
      %dma_wait3A = tpu.memref_slice %arg2[%mul3A_2] : memref<65536xf32, #tpu.memory_space<hbm>> -> memref<8192xf32, #tpu.memory_space<hbm>>
      %dma_wait3A_31 = tpu.memref_slice %arg2[%mul3A_2] : memref<65536xf32, #tpu.memory_space<hbm>> -> memref<8192xf32, #tpu.memory_space<hbm>>
      tpu.wait_dma2 semaphore(%run_scoped3A : memref<!tpu.dma_semaphore, #tpu.memory_space<semaphore_mem>>) src(%dma_wait3A_31 : memref<8192xf32, #tpu.memory_space<hbm>>) dst(%arg6 : memref<8192xf32, #tpu.memory_space<vmem>>)
      tpu.yield
    }) : () -> ()
    %broadcast_in_dim3A = arith.constant 0.000000e+00 : f32
    %broadcast_in_dim3A_3 = vector.broadcast %broadcast_in_dim3A : f32 to vector<16xf32>
    %scan3A = arith.constant 0 : i32
    %scan3A_4 = arith.constant 96 : i32
    %scan3A_5 = arith.addi %scan3A, %scan3A_4 : i32
    %scan3A_6 = arith.constant 1 : i32
    %scan3A_7:16 = scf.for %scan3A_30 = %scan3A to %scan3A_5 step %scan3A_6 iter_args(%scan3A_31 = %broadcast_in_dim3A_3, %scan3A_32 = %broadcast_in_dim3A_3, %scan3A_33 = %broadcast_in_dim3A_3, %scan3A_34 = %broadcast_in_dim3A_3, %scan3A_35 = %broadcast_in_dim3A_3, %scan3A_36 = %broadcast_in_dim3A_3, %scan3A_37 = %broadcast_in_dim3A_3, %scan3A_38 = %broadcast_in_dim3A_3, %scan3A_39 = %broadcast_in_dim3A_3, %scan3A_40 = %broadcast_in_dim3A_3, %scan3A_41 = %broadcast_in_dim3A_3, %scan3A_42 = %broadcast_in_dim3A_3, %scan3A_43 = %broadcast_in_dim3A_3, %scan3A_44 = %broadcast_in_dim3A_3, %scan3A_45 = %broadcast_in_dim3A_3, %scan3A_46 = %broadcast_in_dim3A_3) -> (vector<16xf32>, vector<16xf32>, vector<16xf32>, vector<16xf32>, vector<16xf32>, vector<16xf32>, vector<16xf32>, vector<16xf32>, vector<16xf32>, vector<16xf32>, vector<16xf32>, vector<16xf32>, vector<16xf32>, vector<16xf32>, vector<16xf32>, vector<16xf32>)  : i32 {
      %mul3A_47 = arith.constant 8 : i32
      %mul3A_48 = arith.muli %scan3A_30, %mul3A_47 : i32
      %add3A_49 = arith.constant 0 : i32
      %add3A_50 = arith.addi %mul3A_48, %add3A_49 : i32
      %mul3A_51 = arith.constant 32 : i32
      %mul3A_52 = arith.muli %add3A_50, %mul3A_51 : i32
      %get3A = arith.index_cast %mul3A_52 : i32 to index
      %get3A_53 = tpu.vector_load %arg5[%get3A] {strides = array<i32>} : memref<24576xf32, #tpu.memory_space<vmem>>, vector<16xf32>,
      %get3A_54 = vector.shape_cast %get3A_53 : vector<16xf32> to vector<16xf32>
      %add3A_55 = arith.addf %scan3A_31, %get3A_54 : vector<16xf32>
      %add3A_56 = arith.constant 16 : i32
      %add3A_57 = arith.addi %mul3A_52, %add3A_56 : i32
      %get3A_58 = arith.index_cast %add3A_57 : i32 to index
      %get3A_59 = tpu.vector_load %arg5[%get3A_58] {strides = array<i32>} : memref<24576xf32, #tpu.memory_space<vmem>>, vector<16xf32>,
      %get3A_60 = vector.shape_cast %get3A_59 : vector<16xf32> to vector<16xf32>
      %add3A_61 = arith.addf %scan3A_32, %get3A_60 : vector<16xf32>
      %mul3A_62 = arith.constant 8 : i32
      %mul3A_63 = arith.muli %scan3A_30, %mul3A_62 : i32
      %add3A_64 = arith.constant 1 : i32
      %add3A_65 = arith.addi %mul3A_63, %add3A_64 : i32
      %mul3A_66 = arith.constant 32 : i32
      %mul3A_67 = arith.muli %add3A_65, %mul3A_66 : i32
      %get3A_68 = arith.index_cast %mul3A_67 : i32 to index
      %get3A_69 = tpu.vector_load %arg5[%get3A_68] {strides = array<i32>} : memref<24576xf32, #tpu.memory_space<vmem>>, vector<16xf32>,
      %get3A_70 = vector.shape_cast %get3A_69 : vector<16xf32> to vector<16xf32>
      %add3A_71 = arith.addf %scan3A_33, %get3A_70 : vector<16xf32>
      %add3A_72 = arith.constant 16 : i32
      %add3A_73 = arith.addi %mul3A_67, %add3A_72 : i32
      %get3A_74 = arith.index_cast %add3A_73 : i32 to index
      %get3A_75 = tpu.vector_load %arg5[%get3A_74] {strides = array<i32>} : memref<24576xf32, #tpu.memory_space<vmem>>, vector<16xf32>,
      %get3A_76 = vector.shape_cast %get3A_75 : vector<16xf32> to vector<16xf32>
      %add3A_77 = arith.addf %scan3A_34, %get3A_76 : vector<16xf32>
      %mul3A_78 = arith.constant 8 : i32
      %mul3A_79 = arith.muli %scan3A_30, %mul3A_78 : i32
      %add3A_80 = arith.constant 2 : i32
      %add3A_81 = arith.addi %mul3A_79, %add3A_80 : i32
      %mul3A_82 = arith.constant 32 : i32
      %mul3A_83 = arith.muli %add3A_81, %mul3A_82 : i32
      %get3A_84 = arith.index_cast %mul3A_83 : i32 to index
      %get3A_85 = tpu.vector_load %arg5[%get3A_84] {strides = array<i32>} : memref<24576xf32, #tpu.memory_space<vmem>>, vector<16xf32>,
      %get3A_86 = vector.shape_cast %get3A_85 : vector<16xf32> to vector<16xf32>
      %add3A_87 = arith.addf %scan3A_35, %get3A_86 : vector<16xf32>
      %add3A_88 = arith.constant 16 : i32
      %add3A_89 = arith.addi %mul3A_83, %add3A_88 : i32
      %get3A_90 = arith.index_cast %add3A_89 : i32 to index
      %get3A_91 = tpu.vector_load %arg5[%get3A_90] {strides = array<i32>} : memref<24576xf32, #tpu.memory_space<vmem>>, vector<16xf32>,
      %get3A_92 = vector.shape_cast %get3A_91 : vector<16xf32> to vector<16xf32>
      %add3A_93 = arith.addf %scan3A_36, %get3A_92 : vector<16xf32>
      %mul3A_94 = arith.constant 8 : i32
      %mul3A_95 = arith.muli %scan3A_30, %mul3A_94 : i32
      %add3A_96 = arith.constant 3 : i32
      %add3A_97 = arith.addi %mul3A_95, %add3A_96 : i32
      %mul3A_98 = arith.constant 32 : i32
      %mul3A_99 = arith.muli %add3A_97, %mul3A_98 : i32
      %get3A_100 = arith.index_cast %mul3A_99 : i32 to index
      %get3A_101 = tpu.vector_load %arg5[%get3A_100] {strides = array<i32>} : memref<24576xf32, #tpu.memory_space<vmem>>, vector<16xf32>,
      %get3A_102 = vector.shape_cast %get3A_101 : vector<16xf32> to vector<16xf32>
      %add3A_103 = arith.addf %scan3A_37, %get3A_102 : vector<16xf32>
      %add3A_104 = arith.constant 16 : i32
      %add3A_105 = arith.addi %mul3A_99, %add3A_104 : i32
      %get3A_106 = arith.index_cast %add3A_105 : i32 to index
      %get3A_107 = tpu.vector_load %arg5[%get3A_106] {strides = array<i32>} : memref<24576xf32, #tpu.memory_space<vmem>>, vector<16xf32>,
      %get3A_108 = vector.shape_cast %get3A_107 : vector<16xf32> to vector<16xf32>
      %add3A_109 = arith.addf %scan3A_38, %get3A_108 : vector<16xf32>
      %mul3A_110 = arith.constant 8 : i32
      %mul3A_111 = arith.muli %scan3A_30, %mul3A_110 : i32
      %add3A_112 = arith.constant 4 : i32
      %add3A_113 = arith.addi %mul3A_111, %add3A_112 : i32
      %mul3A_114 = arith.constant 32 : i32
      %mul3A_115 = arith.muli %add3A_113, %mul3A_114 : i32
      %get3A_116 = arith.index_cast %mul3A_115 : i32 to index
      %get3A_117 = tpu.vector_load %arg5[%get3A_116] {strides = array<i32>} : memref<24576xf32, #tpu.memory_space<vmem>>, vector<16xf32>,
      %get3A_118 = vector.shape_cast %get3A_117 : vector<16xf32> to vector<16xf32>
      %add3A_119 = arith.addf %scan3A_39, %get3A_118 : vector<16xf32>
      %add3A_120 = arith.constant 16 : i32
      %add3A_121 = arith.addi %mul3A_115, %add3A_120 : i32
      %get3A_122 = arith.index_cast %add3A_121 : i32 to index
      %get3A_123 = tpu.vector_load %arg5[%get3A_122] {strides = array<i32>} : memref<24576xf32, #tpu.memory_space<vmem>>, vector<16xf32>,
      %get3A_124 = vector.shape_cast %get3A_123 : vector<16xf32> to vector<16xf32>
      %add3A_125 = arith.addf %scan3A_40, %get3A_124 : vector<16xf32>
      %mul3A_126 = arith.constant 8 : i32
      %mul3A_127 = arith.muli %scan3A_30, %mul3A_126 : i32
      %add3A_128 = arith.constant 5 : i32
      %add3A_129 = arith.addi %mul3A_127, %add3A_128 : i32
      %mul3A_130 = arith.constant 32 : i32
      %mul3A_131 = arith.muli %add3A_129, %mul3A_130 : i32
      %get3A_132 = arith.index_cast %mul3A_131 : i32 to index
      %get3A_133 = tpu.vector_load %arg5[%get3A_132] {strides = array<i32>} : memref<24576xf32, #tpu.memory_space<vmem>>, vector<16xf32>,
      %get3A_134 = vector.shape_cast %get3A_133 : vector<16xf32> to vector<16xf32>
      %add3A_135 = arith.addf %scan3A_41, %get3A_134 : vector<16xf32>
      %add3A_136 = arith.constant 16 : i32
      %add3A_137 = arith.addi %mul3A_131, %add3A_136 : i32
      %get3A_138 = arith.index_cast %add3A_137 : i32 to index
      %get3A_139 = tpu.vector_load %arg5[%get3A_138] {strides = array<i32>} : memref<24576xf32, #tpu.memory_space<vmem>>, vector<16xf32>,
      %get3A_140 = vector.shape_cast %get3A_139 : vector<16xf32> to vector<16xf32>
      %add3A_141 = arith.addf %scan3A_42, %get3A_140 : vector<16xf32>
      %mul3A_142 = arith.constant 8 : i32
      %mul3A_143 = arith.muli %scan3A_30, %mul3A_142 : i32
      %add3A_144 = arith.constant 6 : i32
      %add3A_145 = arith.addi %mul3A_143, %add3A_144 : i32
      %mul3A_146 = arith.constant 32 : i32
      %mul3A_147 = arith.muli %add3A_145, %mul3A_146 : i32
      %get3A_148 = arith.index_cast %mul3A_147 : i32 to index
      %get3A_149 = tpu.vector_load %arg5[%get3A_148] {strides = array<i32>} : memref<24576xf32, #tpu.memory_space<vmem>>, vector<16xf32>,
      %get3A_150 = vector.shape_cast %get3A_149 : vector<16xf32> to vector<16xf32>
      %add3A_151 = arith.addf %scan3A_43, %get3A_150 : vector<16xf32>
      %add3A_152 = arith.constant 16 : i32
      %add3A_153 = arith.addi %mul3A_147, %add3A_152 : i32
      %get3A_154 = arith.index_cast %add3A_153 : i32 to index
      %get3A_155 = tpu.vector_load %arg5[%get3A_154] {strides = array<i32>} : memref<24576xf32, #tpu.memory_space<vmem>>, vector<16xf32>,
      %get3A_156 = vector.shape_cast %get3A_155 : vector<16xf32> to vector<16xf32>
      %add3A_157 = arith.addf %scan3A_44, %get3A_156 : vector<16xf32>
      %mul3A_158 = arith.constant 8 : i32
      %mul3A_159 = arith.muli %scan3A_30, %mul3A_158 : i32
      %add3A_160 = arith.constant 7 : i32
      %add3A_161 = arith.addi %mul3A_159, %add3A_160 : i32
      %mul3A_162 = arith.constant 32 : i32
      %mul3A_163 = arith.muli %add3A_161, %mul3A_162 : i32
      %get3A_164 = arith.index_cast %mul3A_163 : i32 to index
      %get3A_165 = tpu.vector_load %arg5[%get3A_164] {strides = array<i32>} : memref<24576xf32, #tpu.memory_space<vmem>>, vector<16xf32>,
      %get3A_166 = vector.shape_cast %get3A_165 : vector<16xf32> to vector<16xf32>
      %add3A_167 = arith.addf %scan3A_45, %get3A_166 : vector<16xf32>
      %add3A_168 = arith.constant 16 : i32
      %add3A_169 = arith.addi %mul3A_163, %add3A_168 : i32
      %get3A_170 = arith.index_cast %add3A_169 : i32 to index
      %get3A_171 = tpu.vector_load %arg5[%get3A_170] {strides = array<i32>} : memref<24576xf32, #tpu.memory_space<vmem>>, vector<16xf32>,
      %get3A_172 = vector.shape_cast %get3A_171 : vector<16xf32> to vector<16xf32>
      %add3A_173 = arith.addf %scan3A_46, %get3A_172 : vector<16xf32>
      scf.yield %add3A_55, %add3A_61, %add3A_71, %add3A_77, %add3A_87, %add3A_93, %add3A_103, %add3A_109, %add3A_119, %add3A_125, %add3A_135, %add3A_141, %add3A_151, %add3A_157, %add3A_167, %add3A_173 : vector<16xf32>, vector<16xf32>, vector<16xf32>, vector<16xf32>, vector<16xf32>, vector<16xf32>, vector<16xf32>, vector<16xf32>, vector<16xf32>, vector<16xf32>, vector<16xf32>, vector<16xf32>, vector<16xf32>, vector<16xf32>, vector<16xf32>, vector<16xf32>
    }
    %scan3A_8 = arith.constant 96 : i32
    %add3A_9 = arith.addf %scan3A_7#0, %scan3A_7#2 : vector<16xf32>
    %add3A_10 = arith.addf %scan3A_7#4, %scan3A_7#6 : vector<16xf32>
    %add3A_11 = arith.addf %add3A_9, %add3A_10 : vector<16xf32>
    %add3A_12 = arith.addf %scan3A_7#8, %scan3A_7#10 : vector<16xf32>
    %add3A_13 = arith.addf %scan3A_7#12, %scan3A_7#14 : vector<16xf32>
    %add3A_14 = arith.addf %add3A_12, %add3A_13 : vector<16xf32>
    %add3A_15 = arith.addf %add3A_11, %add3A_14 : vector<16xf32>
    %add3A_16 = arith.addf %scan3A_7#1, %scan3A_7#3 : vector<16xf32>
    %add3A_17 = arith.addf %scan3A_7#5, %scan3A_7#7 : vector<16xf32>
    %add3A_18 = arith.addf %add3A_16, %add3A_17 : vector<16xf32>
    %add3A_19 = arith.addf %scan3A_7#9, %scan3A_7#11 : vector<16xf32>
    %add3A_20 = arith.addf %scan3A_7#13, %scan3A_7#15 : vector<16xf32>
    %add3A_21 = arith.addf %add3A_19, %add3A_20 : vector<16xf32>
    %add3A_22 = arith.addf %add3A_18, %add3A_21 : vector<16xf32>
    %scan3A_23 = arith.constant 0 : i32
    %scan3A_24 = arith.constant 0 : i32
    %scan3A_25 = arith.constant 256 : i32
    %scan3A_26 = arith.addi %scan3A_24, %scan3A_25 : i32
    %scan3A_27 = arith.constant 1 : i32
    %scan3A_28 = scf.for %scan3A_30 = %scan3A_24 to %scan3A_26 step %scan3A_27 iter_args(%scan3A_31 = %scan3A_23) -> (i32)  : i32 {
      %mul3A_32 = arith.constant 32 : i32
      %mul3A_33 = arith.muli %scan3A_30, %mul3A_32 : i32
      %get3A = arith.index_cast %mul3A_33 : i32 to index
      %get3A_34 = tpu.vector_load %arg6[%get3A] {strides = array<i32>} : memref<8192xf32, #tpu.memory_space<vmem>>, vector<16xf32>,
      %get3A_35 = vector.shape_cast %get3A_34 : vector<16xf32> to vector<16xf32>
      %mul3A_36 = arith.constant 2.000000e+00 : f32
      %mul3A_37 = vector.broadcast %mul3A_36 : f32 to vector<16xf32>
      %mul3A_38 = arith.mulf %get3A_35, %mul3A_37 : vector<16xf32>
      %sub3A = arith.constant 1.000000e+00 : f32
      %sub3A_39 = vector.broadcast %sub3A : f32 to vector<16xf32>
      %sub3A_40 = arith.subf %mul3A_38, %sub3A_39 : vector<16xf32>
      %mul3A_41 = arith.mulf %sub3A_40, %add3A_15 : vector<16xf32>
      %swap3A = arith.index_cast %mul3A_33 : i32 to index
      %swap3A_42 = tpu.vector_load %arg7[%swap3A] {strides = array<i32>} : memref<8192xf32, #tpu.memory_space<vmem>>, vector<16xf32>,
      %swap3A_43 = vector.shape_cast %swap3A_42 : vector<16xf32> to vector<16xf32>
      %swap3A_44 = vector.shape_cast %mul3A_41 : vector<16xf32> to vector<16xf32>
      tpu.vector_store %arg7[%swap3A], %swap3A_44 {strides = array<i32>} : memref<8192xf32, #tpu.memory_space<vmem>>, vector<16xf32>,
      %add3A_45 = arith.constant 16 : i32
      %add3A_46 = arith.addi %mul3A_33, %add3A_45 : i32
      %get3A_47 = arith.index_cast %add3A_46 : i32 to index
      %get3A_48 = tpu.vector_load %arg6[%get3A_47] {strides = array<i32>} : memref<8192xf32, #tpu.memory_space<vmem>>, vector<16xf32>,
      %get3A_49 = vector.shape_cast %get3A_48 : vector<16xf32> to vector<16xf32>
      %mul3A_50 = arith.constant 2.000000e+00 : f32
      %mul3A_51 = vector.broadcast %mul3A_50 : f32 to vector<16xf32>
      %mul3A_52 = arith.mulf %get3A_49, %mul3A_51 : vector<16xf32>
      %sub3A_53 = arith.constant 1.000000e+00 : f32
      %sub3A_54 = vector.broadcast %sub3A_53 : f32 to vector<16xf32>
      %sub3A_55 = arith.subf %mul3A_52, %sub3A_54 : vector<16xf32>
      %mul3A_56 = arith.mulf %sub3A_55, %add3A_22 : vector<16xf32>
      %add3A_57 = arith.constant 16 : i32
      %add3A_58 = arith.addi %mul3A_33, %add3A_57 : i32
      %swap3A_59 = arith.index_cast %add3A_58 : i32 to index
      %swap3A_60 = tpu.vector_load %arg7[%swap3A_59] {strides = array<i32>} : memref<8192xf32, #tpu.memory_space<vmem>>, vector<16xf32>,
      %swap3A_61 = vector.shape_cast %swap3A_60 : vector<16xf32> to vector<16xf32>
      %swap3A_62 = vector.shape_cast %mul3A_56 : vector<16xf32> to vector<16xf32>
      tpu.vector_store %arg7[%swap3A_59], %swap3A_62 {strides = array<i32>} : memref<8192xf32, #tpu.memory_space<vmem>>, vector<16xf32>,
      %scan3A_63 = arith.constant 0 : i32
      scf.yield %scan3A_63 : i32
    }
    %scan3A_29 = arith.constant 256 : i32
    "tpu.region"() ({
      %run_scoped3A = tpu.sem_alloc : memref<!tpu.dma_semaphore, #tpu.memory_space<semaphore_mem>>
      %dma_start3A = tpu.memref_slice %arg4[%mul3A_2] : memref<65536xf32, #tpu.memory_space<hbm>> -> memref<8192xf32, #tpu.memory_space<hbm>>
      %dma_start3A_30 = tpu.memref_slice %arg4[%mul3A_2] : memref<65536xf32, #tpu.memory_space<hbm>> -> memref<8192xf32, #tpu.memory_space<hbm>>
      tpu.enqueue_dma source(%arg7 : memref<8192xf32, #tpu.memory_space<vmem>>) target(%dma_start3A_30 : memref<8192xf32, #tpu.memory_space<hbm>>) target_semaphore(%run_scoped3A : memref<!tpu.dma_semaphore, #tpu.memory_space<semaphore_mem>>)
      %dma_wait3A = tpu.memref_slice %arg4[%mul3A_2] : memref<65536xf32, #tpu.memory_space<hbm>> -> memref<8192xf32, #tpu.memory_space<hbm>>
      %dma_wait3A_31 = tpu.memref_slice %arg4[%mul3A_2] : memref<65536xf32, #tpu.memory_space<hbm>> -> memref<8192xf32, #tpu.memory_space<hbm>>
      tpu.wait_dma2 semaphore(%run_scoped3A : memref<!tpu.dma_semaphore, #tpu.memory_space<semaphore_mem>>) src(%arg7 : memref<8192xf32, #tpu.memory_space<vmem>>) dst(%dma_wait3A_31 : memref<8192xf32, #tpu.memory_space<hbm>>)
      tpu.yield
    }) : () -> ()
    return
  }
}

module attributes {stable_mosaic.version = 14 : i64} {
  func.func @_tc_emb_kernel(%arg0: i32, %arg1: memref<64x32xf32, #tpu.memory_space<vmem>>, %arg2: memref<32x768xf32, #tpu.memory_space<vmem>>, %arg3: memref<64x32x768xf32, #tpu.memory_space<vmem>>) attributes {dimension_semantics = [#tpu.dimension_semantics<arbitrary>], iteration_bounds = array<i64: 32>, scalar_prefetch = 0 : i64, scratch_operands = 0 : i64, tpu.core_type = #tpu.core_type<tc>, window_params = [{transform_indices = @transform_0, window_bounds = array<i64: 64, 32>}, {pipeline_mode = #tpu.pipeline_mode<synchronous>, transform_indices = @transform_1, window_bounds = array<i64: 32, 768>}, {transform_indices = @transform_2, window_bounds = array<i64: 64, 32, 768>}]} {
    %get3A = arith.constant 0 : index
    %get3A_0 = arith.constant 0 : index
    %get3A_1 = vector.load %arg1[%get3A, %get3A_0] : memref<64x32xf32, #tpu.memory_space<vmem>>, vector<64x32xf32>
    %mul3A = arith.constant 2.000000e+00 : f32
    %mul3A_2 = vector.broadcast %mul3A : f32 to vector<64x32xf32>
    %mul3A_3 = arith.mulf %get3A_1, %mul3A_2 : vector<64x32xf32>
    %sub3A = arith.constant 1.000000e+00 : f32
    %sub3A_4 = vector.broadcast %sub3A : f32 to vector<64x32xf32>
    %sub3A_5 = arith.subf %mul3A_3, %sub3A_4 : vector<64x32xf32>
    %broadcast_in_dim3A = vector.shape_cast %sub3A_5 : vector<64x32xf32> to vector<64x32x1xf32>
    %get3A_6 = arith.constant 0 : index
    %get3A_7 = arith.constant 0 : index
    %get3A_8 = vector.load %arg2[%get3A_6, %get3A_7] : memref<32x768xf32, #tpu.memory_space<vmem>>, vector<32x768xf32>
    %broadcast_in_dim3A_9 = vector.shape_cast %get3A_8 : vector<32x768xf32> to vector<1x32x768xf32>
    %mul3A_10 = vector.broadcast %broadcast_in_dim3A : vector<64x32x1xf32> to vector<64x32x768xf32>
    %mul3A_11 = vector.broadcast %broadcast_in_dim3A_9 : vector<1x32x768xf32> to vector<64x32x768xf32>
    %mul3A_12 = arith.mulf %mul3A_10, %mul3A_11 : vector<64x32x768xf32>
    %swap3A = arith.constant 0 : index
    %swap3A_13 = arith.constant 0 : index
    %swap3A_14 = arith.constant 0 : index
    %swap3A_15 = vector.load %arg3[%swap3A, %swap3A_13, %swap3A_14] : memref<64x32x768xf32, #tpu.memory_space<vmem>>, vector<64x32x768xf32>
    tpu.vector_store %arg3[%swap3A, %swap3A_13, %swap3A_14], %mul3A_12 {strides = array<i32>} : memref<64x32x768xf32, #tpu.memory_space<vmem>>, vector<64x32x768xf32>,
    return
  }
  func.func @transform_0(%arg0: i32) -> (i32, i32) {
    %c0_i32 = arith.constant 0 : i32
    %c0_i32_0 = arith.constant 0 : i32
    return %arg0, %c0_i32 : i32, i32
  }
  func.func @transform_1(%arg0: i32) -> (i32, i32) {
    %c0_i32 = arith.constant 0 : i32
    %c0_i32_0 = arith.constant 0 : i32
    %c0_i32_1 = arith.constant 0 : i32
    return %c0_i32, %c0_i32_0 : i32, i32
  }
  func.func @transform_2(%arg0: i32) -> (i32, i32, i32) {
    %c0_i32 = arith.constant 0 : i32
    %c0_i32_0 = arith.constant 0 : i32
    %c0_i32_1 = arith.constant 0 : i32
    return %arg0, %c0_i32, %c0_i32_0 : i32, i32, i32
  }
}

</mosaic_0001>

<sc_bundles>
// kernel: kernel.4.cloned.1.call-start
scs
__scs_entry_jumppad:
0x0: {  	(pc) =	sbr.rel $0x88, $3  }
0x1: {  	(tag) =	ssettag $0x0;
	lr =	simm.s32 $0x1  }
0x2: {  	[smem:$0x3F9F] =	sst lr;
	_ =	strace $0xD0000000  }
0x3: {  	_ = 	snop  }
0x4: {  	_ = 	snop  }
0x5: {  	_ = 	snop  }
0x6: {  	_ = 	snop  }
0x7: {  	_ = 	snop  }
__scs_overlays_trampoline_lowered:
0x8: {  	[smem:$0x3FAE] =	sst s0  }
0x9: {  	[smem:$0x3FAF] =	sst s1  }
0xa: {  	[smem:$0x3FB0] =	sst s2  }
0xb: {  	[smem:$0x3FB1] =	sst s3  }
0xc: {  	[smem:$0x3FB2] =	sst s4  }
0xd: {  	[smem:$0x3FB3] =	sst s5  }
0xe: {  	[smem:$0x3FB4] =	sst s6  }
0xf: {  	[smem:$0x3FB5] =	sst s7  }
0x10: {  	[smem:$0x3FB6] =	sst s8  }
0x11: {  	[smem:$0x3FB7] =	sst s9;
	s0 =	simm.s32 @!p0 $0x0  }
0x12: {  	s1 =	sld [smem:$0x3F9D];
	s0 =	simm.s32 @p0 $0x1  }
0x13: {  	[smem:$0x3FB8] =	sst s0;
	s0 =	simm.s32 @!p1 $0x0  }
0x14: {  	s2 =	sld [smem:$0x3F9C];
	s0 =	simm.s32 @p1 $0x1  }
0x15: {  	[smem:$0x3FB9] =	sst s0;
	s0 =	simm.s32 @!p2 $0x0  }
0x16: {  	s3 =	sld [smem:$0x3FDB];
	s0 =	simm.s32 @p2 $0x1  }
0x17: {  	s4 =	simm.s32 $0x1BF5;
	[smem:$0x3FBB] =	sst s0  }
0x18: {  	s0 =	sld [smem:$0x3F9E];
	_ =	swait.ge [sflag:s4], $0x0  }
0x19: {  	s7 =	sld [smem:$0x3F9F]  }
0x1a: {  	s8 =	sadd.s32 $0xFFFFE003, lr  }
0x1b: {  	s9 =	sadd.s32 $0xFFFFFEF7, lr;
	s5 =	simm.s32 $0xFFFFFFFF;
	p2 =	slt.u32 s8, $0xFFFFF086  }
0x1c: {  	p1 =	slt.u32 s9, $0xF7A;
	s5 =	simm.s32 @!p2 $0x0  }
0x1d: {  	s5 =	simm.s32 @p1 $0x1;
	p0 =	seq.s32 s7, s2  }
0x1e: {  	s7 =	smul.u32 @!p0 $0xF7A, s2;
	p2 =	seq.s32 @!p0 s5, $0x0  }
0x1f: {  	s9 =	smul.u32 $0xF7A, s1;
	s8 =	simm.s32 @!p0 $0x1BF5;
	p2 =	por !p2, p0  }
0x20: {  	[sflag:s8] =	ssyncset.s32 @!p0 $0xFFFFF086;
	s6 =	sadd.s32 @!p0 s3, s7;
	s7 =	simm.s32 @!p0 $0x108  }
0x21: {  	s3 =	sadd.s32 s3, s9;
	s6 =	sadd.s32 @!p0 $0x88, s6;
	s7 =	simm.s32 @p2 $0x1082  }
0x22: {  	[simem:s7], [sflag:s8] =	dma.local @!p0 [hbm:s6], $0xF7A  }
0x23: {  	s9 =	sor.u32 $0xD0000000, s2;
	s6 =	simm.s32 $0x108;
	_ =	swait.ge @!p0 [sflag:s8], $0x0  }
0x24: {  	s3 =	sadd.s32 $0x88, s3;
	s6 =	simm.s32 @!p1 $0x1082;
	[sflag:s4] =	ssyncset.s32 $0xFFFFF086  }
0x25: {  	[simem:s6], [sflag:s4] =	dma.local [hbm:s3], $0xF7A  }
0x26: {  	[smem:$0x3F9F] =	sst s1;
	(tag) =	ssettag s2;
	_ =	strace s9  }
0x27: {  	s1 =	sld [smem:$0x3FAF]  }
0x28: {  	s2 =	sld [smem:$0x3FB0]  }
0x29: {  	s4 =	sld [smem:$0x3FB2]  }
0x2a: {  	p0 =	seq.s32 s5, $0x0;
	s5 =	sld [smem:$0x3FB3]  }
0x2b: {  	s6 =	sld [smem:$0x3FB4]  }
0x2c: {  	s7 =	sld [smem:$0x3FB5]  }
0x2d: {  	s3 =	simm.s32 $0x108;
	s8 =	sld [smem:$0x3FB6]  }
0x2e: {  	s3 =	simm.s32 @!p0 $0x1082;
	s9 =	sld [smem:$0x3FB7]  }
0x2f: {  	lr =	sadd.s32 s0, s3;
	s0 =	sld [smem:$0x3FAE]  }
0x30: {  	s3 =	sld [smem:$0x3FB1]  }
0x31: {  	[smem:$0x3FBA] =	sst s10  }
0x32: {  	s10 =	sld [smem:$0x3FB8];
	_ =	sdelay $0x3  }
0x33: {  	p0 =	seq.s32 s10, $0x1;
	s10 =	sld [smem:$0x3FBA];
	_ =	sdelay $0x3  }
0x34: {  	[smem:$0x3FBA] =	sst s10  }
0x35: {  	s10 =	sld [smem:$0x3FB9];
	_ =	sdelay $0x3  }
0x36: {  	p1 =	seq.s32 s10, $0x1;
	s10 =	sld [smem:$0x3FBA];
	_ =	sdelay $0x3  }
0x37: {  	[smem:$0x3FBA] =	sst s10  }
0x38: {  	s10 =	sld [smem:$0x3FBB]  }
0x39: {  	_ = 	snop;
	(pc) =	sbr.ind lr, $3  }
0x3a: {  	_ = 	snop  }
0x3b: {  	_ = 	snop  }
0x3c: {  	p2 =	seq.s32 s10, $0x1;
	s10 =	sld [smem:$0x3FBA]  }
0x3d: {  	_ =	shalt  }
0x3e: {  	_ =	shalt  }
0x3f: {  	_ =	shalt  }
0x40: {  	_ =	shalt  }
0x41: {  	_ =	shalt  }
0x42: {  	_ =	shalt  }
0x43: {  	_ =	shalt  }
0x44: {  	_ =	shalt  }
0x45: {  	_ =	shalt  }
0x46: {  	_ =	shalt  }
0x47: {  	_ =	shalt  }
0x48: {  	_ =	shalt  }
0x49: {  	_ =	shalt  }
0x4a: {  	_ =	shalt  }
0x4b: {  	_ =	shalt  }
0x4c: {  	_ =	shalt  }
0x4d: {  	_ =	shalt  }
0x4e: {  	_ =	shalt  }
0x4f: {  	_ =	shalt  }
0x50: {  	_ =	shalt  }
0x51: {  	_ =	shalt  }
0x52: {  	_ =	shalt  }
0x53: {  	_ =	shalt  }
0x54: {  	_ =	shalt  }
0x55: {  	_ =	shalt  }
0x56: {  	_ =	shalt  }
0x57: {  	_ =	shalt  }
0x58: {  	_ =	shalt  }
0x59: {  	_ =	shalt  }
0x5a: {  	_ =	shalt  }
0x5b: {  	_ =	shalt  }
0x5c: {  	_ =	shalt  }
0x5d: {  	_ =	shalt  }
0x5e: {  	_ =	shalt  }
0x5f: {  	_ =	shalt  }
0x60: {  	_ =	shalt  }
0x61: {  	_ =	shalt  }
0x62: {  	_ =	shalt  }
0x63: {  	_ =	shalt  }
0x64: {  	_ =	shalt  }
0x65: {  	_ =	shalt  }
0x66: {  	_ =	shalt  }
0x67: {  	_ =	shalt  }
0x68: {  	_ =	shalt  }
0x69: {  	_ =	shalt  }
0x6a: {  	_ =	shalt  }
0x6b: {  	_ =	shalt  }
0x6c: {  	_ =	shalt  }
0x6d: {  	_ =	shalt  }
0x6e: {  	_ =	shalt  }
0x6f: {  	_ =	shalt  }
0x70: {  	_ =	shalt  }
0x71: {  	_ =	shalt  }
0x72: {  	_ =	shalt  }
0x73: {  	_ =	shalt  }
0x74: {  	_ =	shalt  }
0x75: {  	_ =	shalt  }
0x76: {  	_ =	shalt  }
0x77: {  	_ =	shalt  }
0x78: {  	_ =	shalt  }
0x79: {  	_ =	shalt  }
0x7a: {  	_ =	shalt  }
0x7b: {  	_ =	shalt  }
0x7c: {  	_ =	shalt  }
0x7d: {  	_ =	shalt  }
0x7e: {  	_ =	shalt  }
0x7f: {  	_ =	shalt  }
0x80: {  	_ =	shalt  }
0x81: {  	_ =	shalt  }
0x82: {  	_ =	shalt  }
0x83: {  	_ =	shalt  }
0x84: {  	_ =	shalt  }
0x85: {  	_ =	shalt  }
0x86: {  	_ =	shalt  }
0x87: {  	_ =	shalt  }
.Lfunc_end0:
.L_simem_size_0:
called_computation_lowered:
.L_overlay_start_0:
0x88: {  	s0 =	sld [smem:$0x3FD9]  }
0x89: {  	s1 =	sld [smem:$0x3FFE];
	_ =	sdelay $0x3  }
0x8a: {  	s0 =	sadd.s32 s1, s0  }
0x8b: {  	[smem:$0x3FC6] =	sst s0  }
0x8c: {  	_ = 	snop  }
0x8d: {  	s0 =	sld [smem:$0x3FD0];
	_ =	sdelay $0x2  }
0x8e: {  	s13 =	simm.s32 $0xA;
	s2 =	simm.s32 $0x10  }
0x8f: {  	[smem:s2], [sflag:s13] =	dma.local [hbm:s0], $0x1  }
0x90: {  	_ =	swait.eq [sflag:s13], $0x1  }
0x91: {  	[sflag:s13] =	ssyncset.done $0x0  }
0x92: {  	[sflag:s13] =	ssyncadd.s32 $0xFFFFFFFF  }
0x93: {  	s14 =	sld [smem:$0x11];
	(tm) =	ssettm $0x1  }
0x94: {  	s15 =	sld [smem:$0x3FFB];
	_ =	sdelay $0x3  }
0x95: {  	_ =	strace s15  }
0x96: {  	s1 =	sld [smem:$0x3FFC];
	_ =	sdelay $0x3  }
0x97: {  	_ =	strace s1  }
0x98: {  	s1 =	sld [smem:$0x3FFD];
	_ =	sdelay $0x3  }
0x99: {  	_ =	strace s1  }
0x9a: {  	_ =	strace $0x8FFFFFFF  }
0x9b: {  	s16 =	sld [smem:$0x3FDB];
	_ =	sdelay $0x1  }
0x9c: {  	s17 =	simm.s32 $_scs_section_size  }
0x9d: {  	s3 =	simm.s32 $_size__tile_overlayer_lowered;
	s4 =	simm.s32 $_tile_overlayer_lowered  }
0x9e: {  	s20 =	simm.s32 $0x1BFF;
	s19 =	sshll.u32 s4, $0x1;
	s1 =	sadd.s32 s17, s16  }
0x9f: {  	s5 =	simm.s32 $0x0;
	s18 =	sshll.u32 s3, $0x1;
	s3 =	sadd.s32 s19, s1  }
0xa0: {  	[timem:s5], [sflag:s20] =	dma.local [hbm:s3], s18  }
0xa1: {  	_ =	swait.ge [sflag:s20], s18  }
0xa2: {  	s2 =	ssub.s32 $0x0, s18;
	[sflag:s20] =	ssyncset.done $0x0  }
0xa3: {  	[sflag:s20] =	ssyncadd.s32 s2;
	_ =	sdelay $0x1  }
0xa4: {  	s21 =	simm.s32 $0x1B8B  }
0xa5: {  	_ =	swait.ge [sflag:s21], $0x1  }
0xa6: {  	[sflag:s21] =	ssyncset.done $0x0  }
0xa7: {  	s23 =	simm.s32 $0x1B8E;
	s22 =	sld [smem:$0x3FFE];
	[sflag:s21] =	ssyncadd.s32 $0xFFFFFFFF  }
0xa8: {  	s24 =	simm.s32 $execute0_lowered;
	[smem:$0x3FD2] =	sst s23  }
0xa9: {  	s3 =	sshll.u32 s24, $0x1;
	_ =	strace $0x80000046;
	[dreg:$0x1] =	wrdreg $0xFFFFFFFF  }
0xaa: {  	s25 =	simm.s32 $_size_execute0_lowered;
	s1 =	sadd.s32 s1, s3;
	[dreg:$0x0] =	wrdreg $0x0  }
0xab: {  	s3 =	sshll.u32 s25, $0x1;
	[dreg:$0x2] =	wrdreg s1  }
0xac: {  	[dreg:$0x3] =	wrdreg s3  }
0xad: {  	[dreg:$0x4] =	wrdreg $0xC0  }
0xae: {  	_ =	task [dreg:s5], $0x5FFFF  }
0xaf: {  	[dreg:$0x1] =	wrdreg $0xFFFFFFFF  }
0xb0: {  	[dreg:$0x0] =	wrdreg $0x60  }
0xb1: {  	[dreg:$0x2] =	wrdreg s14  }
0xb2: {  	[dreg:$0x3] =	wrdreg s22  }
0xb3: {  	[dreg:$0x4] =	wrdreg $0x9  }
0xb4: {  	_ =	task.clear_ibuf [dreg:s5], $0x5FFFF;
	_ =	strace $0x90000046  }
0xb5: {  	s26 =	simm.s32 $0x9;
	_ =	strace $0x80000048  }
0xb6: {  	_ =	swait.ge [sflag:s26], $0x1  }
0xb7: {  	[sflag:s26] =	ssyncadd.s32 $0xFFFFFFFF  }
0xb8: {  	_ =	strace $0x90000048  }
0xb9: {  	_ =	sfence  }
0xba: {  	s28 =	sld [smem:$0x0];
	_ =	sdelay $0x1  }
0xbb: {  	s29 =	srdreg.scid  }
0xbc: {  	s30 =	sshll.u32 s29, $0xD;
	s31 =	sshrl.u32 s29, $0x2  }
0xbd: {  	s2 =	sand.u32 $0x4000, s30;
	s1 =	sand.u32 $0x1, s29;
	s0 =	sadd.s32 s31, s28  }
0xbe: {  	s1 =	sor.u32 s2, s1;
	s0 =	sshll.u32 s0, $0x11  }
0xbf: {  	s0 =	sor.u32 s0, s1  }
0xc0: {  	s0 =	sadd.s32 $0x8F2B, s0  }
0xc1: {  	[sflag:s0] =	ssyncadd.remote.s32 $0x1  }
0xc2: {  	_ =	sfence.sel $0xFFFF  }
0xc3: {  	[dreg:$0x0] =	wrdreg $0xFFFFFFFF;
	(pc) =	sbr.abs _section_cstart, $3  }
0xc4: {  	[dreg:$0x1] =	wrdreg $0xFFFFFFFF  }
0xc5: {  	_ =	task.clear_ibuf [dreg:s5], $0x2FFFF;
	_ =	strace $0x9FFFFFFF  }
0xc6: {  	(tm) =	ssettm $0x7FFFFFFF  }
0xc7: {  	_ =	shalt  }
tec
execute0_lowered:
.L_overlay_start_1:
0x0: {  	(tag) =	ssettag $0x1  }
0x1: {  	s1 =	stileid.u32  }
0x2: {  	p0 =	sgt.u32 s1, $0x7  }
.Ltmp0:
0x3: {  	_ = 	snop;
	(pc) =	sbr.rel @p0 .LBB2_6-.Ltmp0, $4  }
0x4: {  	s3 =	rddreg [dreg:$0x0]  }
0x5: {  	s2 =	rddreg [dreg:$0x1];
	s4 =	simm.s32 $0x0  }
0x6: {  	[smem:$0x7FF] =	sst s4  }
0x7: {  	s0 =	rddreg [dreg:$0x2];
	_ =	strace $0x80000047  }
0x8: {  	s5 =	sadd.s32 $0x600, s2;
	s29 =	simm.s32 $0x1  }
0x9: {  	[tilespmem:s4], [sflag:$0x1] =	stream.linear.gather [hbm4b:s5+s4], $0x6000, $0x38;
	[tilespmem:$0xA000] =	vst v63  }
0xa: {  	_ =	swait.ge [sflag:s29], $0x6000  }
0xb: {  	s6 =	sshll.u32 s1, $0xA;
	[sflag:s29] =	ssyncset.done $0x0  }
0xc: {  	s7 =	simm.s32 $0x6000;
	s3 =	sadd.s32 s3, s6;
	[sflag:s29] =	ssyncadd.s32 $0xFFFFA000  }
0xd: {  	[tilespmem:s7], [sflag:$0x1] =	stream.linear.gather [hbm4b:s3+s4], $0x2000, $0x38;
	[tilespmem:$0xA000] =	vst v63  }
0xe: {  	_ =	swait.ge [sflag:s29], $0x2000  }
0xf: {  	[sflag:s29] =	ssyncset.done $0x0  }
0x10: {  	s30 =	simm.s32 $0x0;
	[sflag:s29] =	ssyncadd.s32 $0xFFFFE000  }
0x11: {  	v0 =	vld [tilespmem:s30+$0xF0]  }
0x12: {  	v1 =	vld [tilespmem:s30+$0x0]  }
0x13: {  	v3 =	vld [tilespmem:s30+$0x10]  }
0x14: {  	v4 =	vld [tilespmem:s30+$0x20]  }
0x15: {  	v5 =	vld [tilespmem:s30+$0x30]  }
0x16: {  	v6 =	vld [tilespmem:s30+$0x40]  }
0x17: {  	v7 =	vld [tilespmem:s30+$0x50]  }
0x18: {  	v9 =	vld [tilespmem:s30+$0x60]  }
0x19: {  	v10 =	vld [tilespmem:s30+$0x70]  }
0x1a: {  	v11 =	vimm.f32 $0.0e+00;
	v12 =	vld [tilespmem:s30+$0x80]  }
0x1b: {  	v13 =	vld [tilespmem:s30+$0x90];
	v2 =	vadd.f32 v0, v11;
	v8 =	vadd.f32 v1, v11  }
0x1c: {  	v16 =	vld [tilespmem:s30+$0xA0];
	v3 =	vadd.f32 v3, v11;
	v4 =	vadd.f32 v4, v11  }
0x1d: {  	v17 =	vld [tilespmem:s30+$0xB0];
	v0 =	vadd.f32 v5, v11;
	v5 =	vadd.f32 v6, v11  }
0x1e: {  	v15 =	vimm.f32 $0.0e+00;
	v18 =	vld [tilespmem:s30+$0xC0];
	v1 =	vadd.f32 v7, v11;
	v6 =	vadd.f32 v9, v11  }
0x1f: {  	s31 =	sadd.s32 $0x1200, s2;
	v14 =	vimm.f32 $0.0e+00;
	v19 =	vld [tilespmem:s30+$0xD0];
	v7 =	vadd.f32 v10, v11;
	v9 =	vadd.f32 v12, v11  }
0x20: {  	s2 =	sadd.s32 s31, s6;
	s3 =	simm.s32 $0x100;
	s4 =	simm.s32 $0x800;
	v20 =	vld [tilespmem:s30+$0xE0];
	v10 =	vadd.f32 v13, v11;
	v12 =	vimm.f32 $0.0e+00;
	v13 =	vimm.f32 $0.0e+00  }
.LBB2_2:
0x21: {  	p0 =	sne.s32 s4, $0x17C00;
	v21 =	vld [tilespmem:s3+$0xF0];
	v11 =	vadd.f32 v16, v11  }
0x22: {  	v16 =	vld [tilespmem:s3+$0x0];
	v12 =	vadd.f32 v17, v12  }
0x23: {  	v17 =	vld [tilespmem:s3+$0x10];
	v15 =	vadd.f32 v18, v15  }
0x24: {  	v18 =	vld [tilespmem:s3+$0x20];
	v13 =	vadd.f32 v19, v13  }
0x25: {  	v19 =	vld [tilespmem:s3+$0x30];
	v14 =	vadd.f32 v20, v14  }
0x26: {  	v20 =	vld [tilespmem:s3+$0x40];
	v2 =	vadd.f32 v21, v2  }
0x27: {  	v8 =	vadd.f32 v16, v8;
	v16 =	vld [tilespmem:s3+$0x50]  }
0x28: {  	v3 =	vadd.f32 v17, v3;
	v17 =	vld [tilespmem:s3+$0x60]  }
0x29: {  	v4 =	vadd.f32 v18, v4;
	v18 =	vld [tilespmem:s3+$0x70]  }
0x2a: {  	v0 =	vadd.f32 v19, v0;
	v19 =	vld [tilespmem:s3+$0x80]  }
0x2b: {  	v5 =	vadd.f32 v20, v5;
	v20 =	vld [tilespmem:s3+$0x90]  }
.Ltmp1:
0x2c: {  	v1 =	vadd.f32 v16, v1;
	v16 =	vld [tilespmem:s3+$0xA0];
	(pc) =	sbr.rel @p0 .LBB2_2-.Ltmp1, $4  }
0x2d: {  	v6 =	vadd.f32 v17, v6;
	v17 =	vld [tilespmem:s3+$0xB0]  }
0x2e: {  	v7 =	vadd.f32 v18, v7;
	v18 =	vld [tilespmem:s3+$0xC0]  }
0x2f: {  	v9 =	vadd.f32 v19, v9;
	v19 =	vld [tilespmem:s3+$0xD0]  }
0x30: {  	v10 =	vadd.f32 v20, v10;
	v20 =	vld [tilespmem:s3+$0xE0];
	s3 =	sshra.s32 s4, $0x2;
	s4 =	sadd.s32 $0x400, s4  }
0x31: {  	v21 =	vld [tilespmem:s3+$0xF0]  }
0x32: {  	v22 =	vld [tilespmem:s3+$0x0]  }
0x33: {  	v23 =	vld [tilespmem:s3+$0x10]  }
0x34: {  	v24 =	vld [tilespmem:s3+$0x20]  }
0x35: {  	v25 =	vld [tilespmem:s3+$0x30]  }
0x36: {  	v26 =	vld [tilespmem:s3+$0x40]  }
0x37: {  	v27 =	vld [tilespmem:s3+$0x50]  }
0x38: {  	v28 =	vld [tilespmem:s3+$0x60]  }
0x39: {  	v29 =	vld [tilespmem:s3+$0x70]  }
0x3a: {  	v30 =	vld [tilespmem:s3+$0x80]  }
0x3b: {  	v11 =	vadd.f32 v16, v11;
	v55 =	vld [tilespmem:s3+$0x90];
	v12 =	vadd.f32 v17, v12  }
0x3c: {  	v56 =	vld [tilespmem:s3+$0xA0];
	v15 =	vadd.f32 v18, v15;
	v13 =	vadd.f32 v19, v13  }
0x3d: {  	v57 =	vld [tilespmem:s3+$0xB0];
	v14 =	vadd.f32 v20, v14;
	v2 =	vadd.f32 v21, v2  }
0x3e: {  	v58 =	vld [tilespmem:s3+$0xC0];
	v8 =	vadd.f32 v22, v8;
	v3 =	vadd.f32 v23, v3  }
0x3f: {  	v59 =	vld [tilespmem:s3+$0xD0];
	v4 =	vadd.f32 v24, v4;
	v0 =	vadd.f32 v25, v0  }
0x40: {  	v60 =	vld [tilespmem:s3+$0xE0];
	v5 =	vadd.f32 v26, v5;
	v1 =	vadd.f32 v27, v1  }
0x41: {  	v6 =	vadd.f32 v28, v6;
	v7 =	vadd.f32 v29, v7  }
0x42: {  	v9 =	vadd.f32 v30, v9;
	v10 =	vadd.f32 v55, v10  }
0x43: {  	v11 =	vadd.f32 v56, v11;
	v12 =	vadd.f32 v57, v12  }
0x44: {  	v15 =	vadd.f32 v58, v15;
	v13 =	vadd.f32 v59, v13  }
0x45: {  	s3 =	simm.s32 $0x0;
	v14 =	vadd.f32 v60, v14;
	v4 =	vadd.f32 v4, v8  }
0x46: {  	v5 =	vadd.f32 v6, v5;
	v6 =	vld [tilespmem:s3+$0x6010];
	v61 =	vadd.f32 v11, v9  }
0x47: {  	v63 =	vld [tilespmem:s3+$0x6000];
	v0 =	vadd.f32 v0, v3;
	v1 =	vadd.f32 v7, v1  }
0x48: {  	v3 =	vadd.f32 v12, v10;
	v2 =	vadd.f32 v2, v13  }
0x49: {  	v62 =	vadd.f32 v14, v15;
	v4 =	vadd.f32 v5, v4  }
0x4a: {  	v1 =	vadd.f32 v1, v0;
	v2 =	vadd.f32 v2, v3  }
0x4b: {  	s4 =	simm.s32 $0x20;
	v5 =	vadd.f32 v62, v61;
	v3 =	vadd.f32 v6, v6  }
0x4c: {  	v1 =	vadd.f32 v2, v1;
	v2 =	vld [tilespmem:s4+$0x6010];
	v6 =	vadd.f32 v63, v63  }
0x4d: {  	v0 =	vadd.f32 v5, v4;
	v4 =	vadd.f32 $-1.000000000e+00, v3;
	v3 =	vld [tilespmem:s4+$0x6000]  }
0x4e: {  	v6 =	vadd.f32 $-1.000000000e+00, v6  }
0x4f: {  	v5 =	vmul.f32 v4, v1  }
0x50: {  	s5 =	simm.s32 $0x100;
	v4 =	vmul.f32 v6, v0  }
.LBB2_4:
0x51: {  	s6 =	sshra.s32 s5, $0x2;
	p0 =	sne.s32 s5, $0x7F80;
	s5 =	sadd.s32 $0x80, s5;
	v6 =	vadd.f32 v2, v2;
	[tilespmem:s3+$0x8010] =	vst v5  }
.Ltmp2:
0x52: {  	v2 =	vld [tilespmem:s6+$0x6010];
	v5 =	vadd.f32 v3, v3;
	[tilespmem:s3+$0x8000] =	vst v4;
	s3 =	smov.u32 s4;
	s4 =	smov.u32 s6;
	(pc) =	sbr.rel @p0 .LBB2_4-.Ltmp2, $4  }
0x53: {  	v3 =	vld [tilespmem:s4+$0x6000];
	v4 =	vadd.f32 $-1.000000000e+00, v6  }
0x54: {  	v6 =	vadd.f32 $-1.000000000e+00, v5  }
0x55: {  	v5 =	vmul.f32 v4, v1  }
0x56: {  	v4 =	vmul.f32 v6, v0  }
0x57: {  	v2 =	vadd.f32 v2, v2  }
0x58: {  	v3 =	vadd.f32 v3, v3  }
0x59: {  	v2 =	vadd.f32 $-1.000000000e+00, v2  }
0x5a: {  	v3 =	vadd.f32 $-1.000000000e+00, v3  }
0x5b: {  	[tilespmem:s3+$0x8010] =	vst v5;
	v1 =	vmul.f32 v2, v1  }
0x5c: {  	[tilespmem:s3+$0x8000] =	vst v4;
	v0 =	vmul.f32 v3, v0  }
0x5d: {  	[tilespmem:s4+$0x8010] =	vst v1  }
0x5e: {  	s29 =	simm.s32 $0x0;
	s30 =	simm.s32 $0x8000;
	s31 =	simm.s32 $0x1;
	[tilespmem:s4+$0x8000] =	vst v0  }
0x5f: {  	[hbm4b:s2+s29] =	stream.linear.scatter [tilespmem:s30], [sflag:$0x1], $0x2000, $0x38;
	[tilespmem:$0xA000] =	vst v63  }
0x60: {  	_ =	swait.ge [sflag:s31], $0x2000  }
0x61: {  	[sflag:s31] =	ssyncset.done $0x0  }
0x62: {  	[sflag:s31] =	ssyncadd.s32 $0xFFFFE000  }
.LBB2_6:
0x63: {  	_ =	sfence.sel $0x180000  }
0x64: {  	[bflag:$0x0] =	sbarrier.arrive $0xFFFF  }
0x65: {  	p0 =	sne.s32 s1, $0x0;
	_ =	strace $0x90000047  }
0x66: {  	s0 =	sadd.s32 @!p0 $0x100000, s0;
	[bflag:$0x2] =	sbarrier.arrive $0xFFFF  }
0x67: {  	[sflag:s0] =	ssyncadd.tile.s32 @!p0 $0x1;
	_ =	shalt  }
.Lfunc_end2:
_tile_overlayer_lowered:
.L_overlay_start_2:
0x68: {  	(tag) =	ssettag $0x2  }
0x69: {  	s0 =	rddreg [dreg:$0x0];
	s2 =	stileid.u32  }
0x6a: {  	s1 =	rddreg [dreg:$0x1];
	p0 =	sne.s32 s2, $0x0  }
0x6b: {  	s3 =	rddreg [dreg:$0x2];
	[bflag:$0x3] =	sbarrier.arrive $0xFFFF;
	s2 =	simm.s32 @!p0 $0x1C01  }
0x6c: {  	[timem:s3], [sflag:s2] =	dma.local @!p0 [hbm:s0], s1  }
0x6d: {  	s0 =	simm.s32 @!p0 $0x1  }
0x6e: {  	_ =	swait.ge @!p0 [sflag:s0], s1  }
0x6f: {  	s1 =	ssub.s32 @!p0 $0x0, s1;
	[sflag:s0] =	ssyncset.done @!p0 $0x0  }
0x70: {  	[sflag:s0] =	ssyncadd.s32 @!p0 s1  }
0x71: {  	[bflag:$0x3] =	sbarrier.arrive $0xFFFF  }
0x72: {  	_ =	shalt  }

</sc_bundles>
